<compile_context>
chip_gen: v7x
topology: tpu7x:2x2x1
jax: 0.10.2.dev20260603
libtpu: 0.0.44.dev20260713+nightly
codegen_flags: <defaults>
</compile_context>

<pallas_src>
import functools

import jax
import jax.numpy as jnp
from jax import lax
from jax.experimental import pallas as pl
from jax.experimental.pallas import tpu as pltpu
from jax.experimental.pallas import tpu_sc as plsc


_N, _S, _D = 2048, 4, 4096
_NW = 32
_RPW = _N // _NW
_L = 16


def _add_row(xb, tb):
    def chunk(j, _):
        off = pl.multiple_of(j * _L, _L)
        t = tb[pl.ds(off, _L)]
        for rr in range(_S):
            xb[rr, pl.ds(off, _L)] = xb[rr, pl.ds(off, _L)] + t
        return 0

    lax.fori_loop(0, _D // _L, chunk, 0, unroll=2)


_NSLOT = 4


def _sc_body(x_hbm, t_hbm, o_hbm, *bufs):
    xbufs = bufs[0:_NSLOT]
    tbufs = bufs[_NSLOT:2 * _NSLOT]
    isems = bufs[2 * _NSLOT:3 * _NSLOT]
    osems = bufs[3 * _NSLOT:4 * _NSLOT]
    c = lax.axis_index("c")
    s = lax.axis_index("s")
    wid = s * 2 + c
    base = wid * _RPW

    def start_in(slot, r):
        pltpu.make_async_copy(x_hbm.at[r], xbufs[slot], isems[slot]).start()
        pltpu.make_async_copy(t_hbm.at[r], tbufs[slot], isems[slot]).start()

    def wait_in(slot, r):
        pltpu.make_async_copy(x_hbm.at[r], xbufs[slot], isems[slot]).wait()
        pltpu.make_async_copy(t_hbm.at[r], tbufs[slot], isems[slot]).wait()

    def start_out(slot, r):
        pltpu.make_async_copy(xbufs[slot], o_hbm.at[r], osems[slot]).start()

    def wait_out(slot, r):
        pltpu.make_async_copy(xbufs[slot], o_hbm.at[r], osems[slot]).wait()

    for slot in range(_NSLOT):
        start_in(slot, base + slot)

    def group(k, _):
        r0 = base + _NSLOT * k
        for slot in range(_NSLOT):
            r = r0 + slot
            wait_in(slot, r)
            start_out(slot, r)

        @pl.when(k < _RPW // _NSLOT - 1)
        def _refill():
            for slot in range(_NSLOT):
                r = r0 + slot
                wait_out(slot, r)
                start_in(slot, r + _NSLOT)

        return 0

    lax.fori_loop(0, _RPW // _NSLOT, group, 0)
    for slot in range(_NSLOT):
        wait_out(slot, base + _RPW - _NSLOT + slot)


@jax.jit
def kernel(x, table):
    mesh = plsc.VectorSubcoreMesh(core_axis_name="c", subcore_axis_name="s")
    sc_fn = pl.kernel(
        _sc_body,
        mesh=mesh,
        out_type=jax.ShapeDtypeStruct((_N, _S, _D), jnp.float32),
        scratch_types=(
            [pltpu.VMEM((_S, _D), jnp.float32)] * _NSLOT
            + [pltpu.VMEM((_D,), jnp.float32)] * _NSLOT
            + [pltpu.SemaphoreType.DMA] * (2 * _NSLOT)
        ),
    )
    return sc_fn(x, table)

# --- scband reference (transcript-rebuilt; emitter-appended) ---
"""Pipeline reference for scband-token-encoding-420906795105 (READ-ONLY COPY).

The authoritative reference and input builder live on the scoring server;
editing this copy changes nothing except your own understanding.
"""

import jax, jax.numpy as jnp
import numpy as np

def setup_inputs(seed: int = 0) -> dict:
    key = jax.random.key(seed)
    k1, k2 = jax.random.split(key)
    x = jax.random.normal(k1, (2048, 4, 4096), dtype=jnp.float32)
    # learned parameter: embedding table sized per init_kwargs (num_tokens=2048, d_model=4096)
    table = jax.random.normal(k2, (2048, 4096), dtype=jnp.float32) * 0.02
    return {"x": x, "table": table}

def reference(x, table):
    # token_ids = arange over leading dim of x
    token_ids = jnp.arange(x.shape[0], dtype=jnp.int32)
    token_embeds = jnp.take(table, token_ids, axis=0)  # [x.shape[0], d_model]
    shape = (x.shape[0],) + (1,) * (x.ndim - 2) + (x.shape[-1],)
    token_embeds = token_embeds.reshape(shape)
    return x + token_embeds

if __name__ == "__main__":
    import jax
    _d = setup_inputs()
    print(jax.jit(kernel)(*tuple(_d.values())))

</pallas_src>

<mosaic_0001>
#map = affine_map<(d0, d1) -> (0, 0, 0)>
#map1 = affine_map<(d0, d1) -> (0, 0)>
module attributes {stable_mosaic.version = 14 : i64} {
  func.func @_sc_body(%arg0: i32, %arg1: i32, %arg2: memref<2048x4x4096xf32, #tpu.memory_space<hbm>>, %arg3: memref<2048x4096xf32, #tpu.memory_space<hbm>>, %arg4: memref<2048x4x4096xf32, #tpu.memory_space<hbm>>, %arg5: memref<4x4096xf32, #tpu.memory_space<vmem>>, %arg6: memref<4x4096xf32, #tpu.memory_space<vmem>>, %arg7: memref<4x4096xf32, #tpu.memory_space<vmem>>, %arg8: memref<4x4096xf32, #tpu.memory_space<vmem>>, %arg9: memref<4096xf32, #tpu.memory_space<vmem>>, %arg10: memref<4096xf32, #tpu.memory_space<vmem>>, %arg11: memref<4096xf32, #tpu.memory_space<vmem>>, %arg12: memref<4096xf32, #tpu.memory_space<vmem>>, %arg13: memref<!tpu.dma_semaphore, #tpu.memory_space<semaphore_mem>>, %arg14: memref<!tpu.dma_semaphore, #tpu.memory_space<semaphore_mem>>, %arg15: memref<!tpu.dma_semaphore, #tpu.memory_space<semaphore_mem>>, %arg16: memref<!tpu.dma_semaphore, #tpu.memory_space<semaphore_mem>>, %arg17: memref<!tpu.dma_semaphore, #tpu.memory_space<semaphore_mem>>, %arg18: memref<!tpu.dma_semaphore, #tpu.memory_space<semaphore_mem>>, %arg19: memref<!tpu.dma_semaphore, #tpu.memory_space<semaphore_mem>>, %arg20: memref<!tpu.dma_semaphore, #tpu.memory_space<semaphore_mem>>) attributes {dimension_semantics = [#tpu.dimension_semantics<core_parallel>, #tpu.dimension_semantics<subcore_parallel>], iteration_bounds = array<i64: 2, 16>, scalar_prefetch = 0 : i64, scratch_operands = 16 : i64, tpu.core_type = #tpu.core_type<sc_vector_subcore>, window_params = [{transform_indices = #map}, {transform_indices = #map1}, {transform_indices = #map}]} {
    %mul3A = arith.constant 2 : i32
    %mul3A_0 = arith.muli %arg1, %mul3A : i32
    %add3A = arith.addi %mul3A_0, %arg0 : i32
    %mul3A_1 = arith.constant 64 : i32
    %mul3A_2 = arith.muli %add3A, %mul3A_1 : i32
    %add3A_3 = arith.constant 0 : i32
    %add3A_4 = arith.addi %mul3A_2, %add3A_3 : i32
    %dma_start3A = arith.constant 0 : i32
    %dma_start3A_5 = arith.constant 0 : i32
    %dma_start3A_6 = tpu.memref_slice %arg2[%add3A_4, %dma_start3A, %dma_start3A_5] : memref<2048x4x4096xf32, #tpu.memory_space<hbm>> -> memref<1x4x4096xf32, #tpu.memory_space<hbm>>
    %dma_start3A_7 = tpu.memref_squeeze %dma_start3A_6 : memref<1x4x4096xf32, #tpu.memory_space<hbm>> -> memref<4x4096xf32, #tpu.memory_space<hbm>>
    %dma_start3A_8 = arith.constant 0 : i32
    %dma_start3A_9 = arith.constant 0 : i32
    %dma_start3A_10 = tpu.memref_slice %arg2[%add3A_4, %dma_start3A_8, %dma_start3A_9] : memref<2048x4x4096xf32, #tpu.memory_space<hbm>> -> memref<1x4x4096xf32, #tpu.memory_space<hbm>>
    %dma_start3A_11 = tpu.memref_squeeze %dma_start3A_10 : memref<1x4x4096xf32, #tpu.memory_space<hbm>> -> memref<4x4096xf32, #tpu.memory_space<hbm>>
    tpu.enqueue_dma source(%dma_start3A_11 : memref<4x4096xf32, #tpu.memory_space<hbm>>) target(%arg5 : memref<4x4096xf32, #tpu.memory_space<vmem>>) target_semaphore(%arg13 : memref<!tpu.dma_semaphore, #tpu.memory_space<semaphore_mem>>)
    %dma_start3A_12 = arith.constant 0 : i32
    %dma_start3A_13 = tpu.memref_slice %arg3[%add3A_4, %dma_start3A_12] : memref<2048x4096xf32, #tpu.memory_space<hbm>> -> memref<1x4096xf32, #tpu.memory_space<hbm>>
    %dma_start3A_14 = tpu.memref_squeeze %dma_start3A_13 : memref<1x4096xf32, #tpu.memory_space<hbm>> -> memref<4096xf32, #tpu.memory_space<hbm>>
    %dma_start3A_15 = arith.constant 0 : i32
    %dma_start3A_16 = tpu.memref_slice %arg3[%add3A_4, %dma_start3A_15] : memref<2048x4096xf32, #tpu.memory_space<hbm>> -> memref<1x4096xf32, #tpu.memory_space<hbm>>
    %dma_start3A_17 = tpu.memref_squeeze %dma_start3A_16 : memref<1x4096xf32, #tpu.memory_space<hbm>> -> memref<4096xf32, #tpu.memory_space<hbm>>
    tpu.enqueue_dma source(%dma_start3A_17 : memref<4096xf32, #tpu.memory_space<hbm>>) target(%arg9 : memref<4096xf32, #tpu.memory_space<vmem>>) target_semaphore(%arg13 : memref<!tpu.dma_semaphore, #tpu.memory_space<semaphore_mem>>)
    %add3A_18 = arith.constant 1 : i32
    %add3A_19 = arith.addi %mul3A_2, %add3A_18 : i32
    %dma_start3A_20 = arith.constant 0 : i32
    %dma_start3A_21 = arith.constant 0 : i32
    %dma_start3A_22 = tpu.memref_slice %arg2[%add3A_19, %dma_start3A_20, %dma_start3A_21] : memref<2048x4x4096xf32, #tpu.memory_space<hbm>> -> memref<1x4x4096xf32, #tpu.memory_space<hbm>>
    %dma_start3A_23 = tpu.memref_squeeze %dma_start3A_22 : memref<1x4x4096xf32, #tpu.memory_space<hbm>> -> memref<4x4096xf32, #tpu.memory_space<hbm>>
    %dma_start3A_24 = arith.constant 0 : i32
    %dma_start3A_25 = arith.constant 0 : i32
    %dma_start3A_26 = tpu.memref_slice %arg2[%add3A_19, %dma_start3A_24, %dma_start3A_25] : memref<2048x4x4096xf32, #tpu.memory_space<hbm>> -> memref<1x4x4096xf32, #tpu.memory_space<hbm>>
    %dma_start3A_27 = tpu.memref_squeeze %dma_start3A_26 : memref<1x4x4096xf32, #tpu.memory_space<hbm>> -> memref<4x4096xf32, #tpu.memory_space<hbm>>
    tpu.enqueue_dma source(%dma_start3A_27 : memref<4x4096xf32, #tpu.memory_space<hbm>>) target(%arg6 : memref<4x4096xf32, #tpu.memory_space<vmem>>) target_semaphore(%arg14 : memref<!tpu.dma_semaphore, #tpu.memory_space<semaphore_mem>>)
    %dma_start3A_28 = arith.constant 0 : i32
    %dma_start3A_29 = tpu.memref_slice %arg3[%add3A_19, %dma_start3A_28] : memref<2048x4096xf32, #tpu.memory_space<hbm>> -> memref<1x4096xf32, #tpu.memory_space<hbm>>
    %dma_start3A_30 = tpu.memref_squeeze %dma_start3A_29 : memref<1x4096xf32, #tpu.memory_space<hbm>> -> memref<4096xf32, #tpu.memory_space<hbm>>
    %dma_start3A_31 = arith.constant 0 : i32
    %dma_start3A_32 = tpu.memref_slice %arg3[%add3A_19, %dma_start3A_31] : memref<2048x4096xf32, #tpu.memory_space<hbm>> -> memref<1x4096xf32, #tpu.memory_space<hbm>>
    %dma_start3A_33 = tpu.memref_squeeze %dma_start3A_32 : memref<1x4096xf32, #tpu.memory_space<hbm>> -> memref<4096xf32, #tpu.memory_space<hbm>>
    tpu.enqueue_dma source(%dma_start3A_33 : memref<4096xf32, #tpu.memory_space<hbm>>) target(%arg10 : memref<4096xf32, #tpu.memory_space<vmem>>) target_semaphore(%arg14 : memref<!tpu.dma_semaphore, #tpu.memory_space<semaphore_mem>>)
    %add3A_34 = arith.constant 2 : i32
    %add3A_35 = arith.addi %mul3A_2, %add3A_34 : i32
    %dma_start3A_36 = arith.constant 0 : i32
    %dma_start3A_37 = arith.constant 0 : i32
    %dma_start3A_38 = tpu.memref_slice %arg2[%add3A_35, %dma_start3A_36, %dma_start3A_37] : memref<2048x4x4096xf32, #tpu.memory_space<hbm>> -> memref<1x4x4096xf32, #tpu.memory_space<hbm>>
    %dma_start3A_39 = tpu.memref_squeeze %dma_start3A_38 : memref<1x4x4096xf32, #tpu.memory_space<hbm>> -> memref<4x4096xf32, #tpu.memory_space<hbm>>
    %dma_start3A_40 = arith.constant 0 : i32
    %dma_start3A_41 = arith.constant 0 : i32
    %dma_start3A_42 = tpu.memref_slice %arg2[%add3A_35, %dma_start3A_40, %dma_start3A_41] : memref<2048x4x4096xf32, #tpu.memory_space<hbm>> -> memref<1x4x4096xf32, #tpu.memory_space<hbm>>
    %dma_start3A_43 = tpu.memref_squeeze %dma_start3A_42 : memref<1x4x4096xf32, #tpu.memory_space<hbm>> -> memref<4x4096xf32, #tpu.memory_space<hbm>>
    tpu.enqueue_dma source(%dma_start3A_43 : memref<4x4096xf32, #tpu.memory_space<hbm>>) target(%arg7 : memref<4x4096xf32, #tpu.memory_space<vmem>>) target_semaphore(%arg15 : memref<!tpu.dma_semaphore, #tpu.memory_space<semaphore_mem>>)
    %dma_start3A_44 = arith.constant 0 : i32
    %dma_start3A_45 = tpu.memref_slice %arg3[%add3A_35, %dma_start3A_44] : memref<2048x4096xf32, #tpu.memory_space<hbm>> -> memref<1x4096xf32, #tpu.memory_space<hbm>>
    %dma_start3A_46 = tpu.memref_squeeze %dma_start3A_45 : memref<1x4096xf32, #tpu.memory_space<hbm>> -> memref<4096xf32, #tpu.memory_space<hbm>>
    %dma_start3A_47 = arith.constant 0 : i32
    %dma_start3A_48 = tpu.memref_slice %arg3[%add3A_35, %dma_start3A_47] : memref<2048x4096xf32, #tpu.memory_space<hbm>> -> memref<1x4096xf32, #tpu.memory_space<hbm>>
    %dma_start3A_49 = tpu.memref_squeeze %dma_start3A_48 : memref<1x4096xf32, #tpu.memory_space<hbm>> -> memref<4096xf32, #tpu.memory_space<hbm>>
    tpu.enqueue_dma source(%dma_start3A_49 : memref<4096xf32, #tpu.memory_space<hbm>>) target(%arg11 : memref<4096xf32, #tpu.memory_space<vmem>>) target_semaphore(%arg15 : memref<!tpu.dma_semaphore, #tpu.memory_space<semaphore_mem>>)
    %add3A_50 = arith.constant 3 : i32
    %add3A_51 = arith.addi %mul3A_2, %add3A_50 : i32
    %dma_start3A_52 = arith.constant 0 : i32
    %dma_start3A_53 = arith.constant 0 : i32
    %dma_start3A_54 = tpu.memref_slice %arg2[%add3A_51, %dma_start3A_52, %dma_start3A_53] : memref<2048x4x4096xf32, #tpu.memory_space<hbm>> -> memref<1x4x4096xf32, #tpu.memory_space<hbm>>
    %dma_start3A_55 = tpu.memref_squeeze %dma_start3A_54 : memref<1x4x4096xf32, #tpu.memory_space<hbm>> -> memref<4x4096xf32, #tpu.memory_space<hbm>>
    %dma_start3A_56 = arith.constant 0 : i32
    %dma_start3A_57 = arith.constant 0 : i32
    %dma_start3A_58 = tpu.memref_slice %arg2[%add3A_51, %dma_start3A_56, %dma_start3A_57] : memref<2048x4x4096xf32, #tpu.memory_space<hbm>> -> memref<1x4x4096xf32, #tpu.memory_space<hbm>>
    %dma_start3A_59 = tpu.memref_squeeze %dma_start3A_58 : memref<1x4x4096xf32, #tpu.memory_space<hbm>> -> memref<4x4096xf32, #tpu.memory_space<hbm>>
    tpu.enqueue_dma source(%dma_start3A_59 : memref<4x4096xf32, #tpu.memory_space<hbm>>) target(%arg8 : memref<4x4096xf32, #tpu.memory_space<vmem>>) target_semaphore(%arg16 : memref<!tpu.dma_semaphore, #tpu.memory_space<semaphore_mem>>)
    %dma_start3A_60 = arith.constant 0 : i32
    %dma_start3A_61 = tpu.memref_slice %arg3[%add3A_51, %dma_start3A_60] : memref<2048x4096xf32, #tpu.memory_space<hbm>> -> memref<1x4096xf32, #tpu.memory_space<hbm>>
    %dma_start3A_62 = tpu.memref_squeeze %dma_start3A_61 : memref<1x4096xf32, #tpu.memory_space<hbm>> -> memref<4096xf32, #tpu.memory_space<hbm>>
    %dma_start3A_63 = arith.constant 0 : i32
    %dma_start3A_64 = tpu.memref_slice %arg3[%add3A_51, %dma_start3A_63] : memref<2048x4096xf32, #tpu.memory_space<hbm>> -> memref<1x4096xf32, #tpu.memory_space<hbm>>
    %dma_start3A_65 = tpu.memref_squeeze %dma_start3A_64 : memref<1x4096xf32, #tpu.memory_space<hbm>> -> memref<4096xf32, #tpu.memory_space<hbm>>
    tpu.enqueue_dma source(%dma_start3A_65 : memref<4096xf32, #tpu.memory_space<hbm>>) target(%arg12 : memref<4096xf32, #tpu.memory_space<vmem>>) target_semaphore(%arg16 : memref<!tpu.dma_semaphore, #tpu.memory_space<semaphore_mem>>)
    %scan3A = arith.constant 0 : i32
    %scan3A_66 = arith.constant 0 : i32
    %scan3A_67 = arith.constant 16 : i32
    %scan3A_68 = arith.addi %scan3A_66, %scan3A_67 : i32
    %scan3A_69 = arith.constant 1 : i32
    %scan3A_70 = scf.for %scan3A_126 = %scan3A_66 to %scan3A_68 step %scan3A_69 iter_args(%scan3A_127 = %scan3A) -> (i32)  : i32 {
      %mul3A_128 = arith.constant 4 : i32
      %mul3A_129 = arith.muli %mul3A_128, %scan3A_126 : i32
      %add3A_130 = arith.addi %mul3A_2, %mul3A_129 : i32
      %add3A_131 = arith.constant 0 : i32
      %add3A_132 = arith.addi %add3A_130, %add3A_131 : i32
      %dma_wait3A_133 = arith.constant 0 : i32
      %dma_wait3A_134 = arith.constant 0 : i32
      %dma_wait3A_135 = tpu.memref_slice %arg2[%add3A_132, %dma_wait3A_133, %dma_wait3A_134] : memref<2048x4x4096xf32, #tpu.memory_space<hbm>> -> memref<1x4x4096xf32, #tpu.memory_space<hbm>>
      %dma_wait3A_136 = tpu.memref_squeeze %dma_wait3A_135 : memref<1x4x4096xf32, #tpu.memory_space<hbm>> -> memref<4x4096xf32, #tpu.memory_space<hbm>>
      %dma_wait3A_137 = arith.constant 0 : i32
      %dma_wait3A_138 = arith.constant 0 : i32
      %dma_wait3A_139 = tpu.memref_slice %arg2[%add3A_132, %dma_wait3A_137, %dma_wait3A_138] : memref<2048x4x4096xf32, #tpu.memory_space<hbm>> -> memref<1x4x4096xf32, #tpu.memory_space<hbm>>
      %dma_wait3A_140 = tpu.memref_squeeze %dma_wait3A_139 : memref<1x4x4096xf32, #tpu.memory_space<hbm>> -> memref<4x4096xf32, #tpu.memory_space<hbm>>
      tpu.wait_dma2 semaphore(%arg13 : memref<!tpu.dma_semaphore, #tpu.memory_space<semaphore_mem>>) src(%dma_wait3A_140 : memref<4x4096xf32, #tpu.memory_space<hbm>>) dst(%arg5 : memref<4x4096xf32, #tpu.memory_space<vmem>>)
      %dma_wait3A_141 = arith.constant 0 : i32
      %dma_wait3A_142 = tpu.memref_slice %arg3[%add3A_132, %dma_wait3A_141] : memref<2048x4096xf32, #tpu.memory_space<hbm>> -> memref<1x4096xf32, #tpu.memory_space<hbm>>
      %dma_wait3A_143 = tpu.memref_squeeze %dma_wait3A_142 : memref<1x4096xf32, #tpu.memory_space<hbm>> -> memref<4096xf32, #tpu.memory_space<hbm>>
      %dma_wait3A_144 = arith.constant 0 : i32
      %dma_wait3A_145 = tpu.memref_slice %arg3[%add3A_132, %dma_wait3A_144] : memref<2048x4096xf32, #tpu.memory_space<hbm>> -> memref<1x4096xf32, #tpu.memory_space<hbm>>
      %dma_wait3A_146 = tpu.memref_squeeze %dma_wait3A_145 : memref<1x4096xf32, #tpu.memory_space<hbm>> -> memref<4096xf32, #tpu.memory_space<hbm>>
      tpu.wait_dma2 semaphore(%arg13 : memref<!tpu.dma_semaphore, #tpu.memory_space<semaphore_mem>>) src(%dma_wait3A_146 : memref<4096xf32, #tpu.memory_space<hbm>>) dst(%arg9 : memref<4096xf32, #tpu.memory_space<vmem>>)
      %dma_start3A_147 = arith.constant 0 : i32
      %dma_start3A_148 = arith.constant 0 : i32
      %dma_start3A_149 = tpu.memref_slice %arg4[%add3A_132, %dma_start3A_147, %dma_start3A_148] : memref<2048x4x4096xf32, #tpu.memory_space<hbm>> -> memref<1x4x4096xf32, #tpu.memory_space<hbm>>
      %dma_start3A_150 = tpu.memref_squeeze %dma_start3A_149 : memref<1x4x4096xf32, #tpu.memory_space<hbm>> -> memref<4x4096xf32, #tpu.memory_space<hbm>>
      %dma_start3A_151 = arith.constant 0 : i32
      %dma_start3A_152 = arith.constant 0 : i32
      %dma_start3A_153 = tpu.memref_slice %arg4[%add3A_132, %dma_start3A_151, %dma_start3A_152] : memref<2048x4x4096xf32, #tpu.memory_space<hbm>> -> memref<1x4x4096xf32, #tpu.memory_space<hbm>>
      %dma_start3A_154 = tpu.memref_squeeze %dma_start3A_153 : memref<1x4x4096xf32, #tpu.memory_space<hbm>> -> memref<4x4096xf32, #tpu.memory_space<hbm>>
      tpu.enqueue_dma source(%arg5 : memref<4x4096xf32, #tpu.memory_space<vmem>>) target(%dma_start3A_154 : memref<4x4096xf32, #tpu.memory_space<hbm>>) target_semaphore(%arg17 : memref<!tpu.dma_semaphore, #tpu.memory_space<semaphore_mem>>)
      %add3A_155 = arith.constant 1 : i32
      %add3A_156 = arith.addi %add3A_130, %add3A_155 : i32
      %dma_wait3A_157 = arith.constant 0 : i32
      %dma_wait3A_158 = arith.constant 0 : i32
      %dma_wait3A_159 = tpu.memref_slice %arg2[%add3A_156, %dma_wait3A_157, %dma_wait3A_158] : memref<2048x4x4096xf32, #tpu.memory_space<hbm>> -> memref<1x4x4096xf32, #tpu.memory_space<hbm>>
      %dma_wait3A_160 = tpu.memref_squeeze %dma_wait3A_159 : memref<1x4x4096xf32, #tpu.memory_space<hbm>> -> memref<4x4096xf32, #tpu.memory_space<hbm>>
      %dma_wait3A_161 = arith.constant 0 : i32
      %dma_wait3A_162 = arith.constant 0 : i32
      %dma_wait3A_163 = tpu.memref_slice %arg2[%add3A_156, %dma_wait3A_161, %dma_wait3A_162] : memref<2048x4x4096xf32, #tpu.memory_space<hbm>> -> memref<1x4x4096xf32, #tpu.memory_space<hbm>>
      %dma_wait3A_164 = tpu.memref_squeeze %dma_wait3A_163 : memref<1x4x4096xf32, #tpu.memory_space<hbm>> -> memref<4x4096xf32, #tpu.memory_space<hbm>>
      tpu.wait_dma2 semaphore(%arg14 : memref<!tpu.dma_semaphore, #tpu.memory_space<semaphore_mem>>) src(%dma_wait3A_164 : memref<4x4096xf32, #tpu.memory_space<hbm>>) dst(%arg6 : memref<4x4096xf32, #tpu.memory_space<vmem>>)
      %dma_wait3A_165 = arith.constant 0 : i32
      %dma_wait3A_166 = tpu.memref_slice %arg3[%add3A_156, %dma_wait3A_165] : memref<2048x4096xf32, #tpu.memory_space<hbm>> -> memref<1x4096xf32, #tpu.memory_space<hbm>>
      %dma_wait3A_167 = tpu.memref_squeeze %dma_wait3A_166 : memref<1x4096xf32, #tpu.memory_space<hbm>> -> memref<4096xf32, #tpu.memory_space<hbm>>
      %dma_wait3A_168 = arith.constant 0 : i32
      %dma_wait3A_169 = tpu.memref_slice %arg3[%add3A_156, %dma_wait3A_168] : memref<2048x4096xf32, #tpu.memory_space<hbm>> -> memref<1x4096xf32, #tpu.memory_space<hbm>>
      %dma_wait3A_170 = tpu.memref_squeeze %dma_wait3A_169 : memref<1x4096xf32, #tpu.memory_space<hbm>> -> memref<4096xf32, #tpu.memory_space<hbm>>
      tpu.wait_dma2 semaphore(%arg14 : memref<!tpu.dma_semaphore, #tpu.memory_space<semaphore_mem>>) src(%dma_wait3A_170 : memref<4096xf32, #tpu.memory_space<hbm>>) dst(%arg10 : memref<4096xf32, #tpu.memory_space<vmem>>)
      %dma_start3A_171 = arith.constant 0 : i32
      %dma_start3A_172 = arith.constant 0 : i32
      %dma_start3A_173 = tpu.memref_slice %arg4[%add3A_156, %dma_start3A_171, %dma_start3A_172] : memref<2048x4x4096xf32, #tpu.memory_space<hbm>> -> memref<1x4x4096xf32, #tpu.memory_space<hbm>>
      %dma_start3A_174 = tpu.memref_squeeze %dma_start3A_173 : memref<1x4x4096xf32, #tpu.memory_space<hbm>> -> memref<4x4096xf32, #tpu.memory_space<hbm>>
      %dma_start3A_175 = arith.constant 0 : i32
      %dma_start3A_176 = arith.constant 0 : i32
      %dma_start3A_177 = tpu.memref_slice %arg4[%add3A_156, %dma_start3A_175, %dma_start3A_176] : memref<2048x4x4096xf32, #tpu.memory_space<hbm>> -> memref<1x4x4096xf32, #tpu.memory_space<hbm>>
      %dma_start3A_178 = tpu.memref_squeeze %dma_start3A_177 : memref<1x4x4096xf32, #tpu.memory_space<hbm>> -> memref<4x4096xf32, #tpu.memory_space<hbm>>
      tpu.enqueue_dma source(%arg6 : memref<4x4096xf32, #tpu.memory_space<vmem>>) target(%dma_start3A_178 : memref<4x4096xf32, #tpu.memory_space<hbm>>) target_semaphore(%arg18 : memref<!tpu.dma_semaphore, #tpu.memory_space<semaphore_mem>>)
      %add3A_179 = arith.constant 2 : i32
      %add3A_180 = arith.addi %add3A_130, %add3A_179 : i32
      %dma_wait3A_181 = arith.constant 0 : i32
      %dma_wait3A_182 = arith.constant 0 : i32
      %dma_wait3A_183 = tpu.memref_slice %arg2[%add3A_180, %dma_wait3A_181, %dma_wait3A_182] : memref<2048x4x4096xf32, #tpu.memory_space<hbm>> -> memref<1x4x4096xf32, #tpu.memory_space<hbm>>
      %dma_wait3A_184 = tpu.memref_squeeze %dma_wait3A_183 : memref<1x4x4096xf32, #tpu.memory_space<hbm>> -> memref<4x4096xf32, #tpu.memory_space<hbm>>
      %dma_wait3A_185 = arith.constant 0 : i32
      %dma_wait3A_186 = arith.constant 0 : i32
      %dma_wait3A_187 = tpu.memref_slice %arg2[%add3A_180, %dma_wait3A_185, %dma_wait3A_186] : memref<2048x4x4096xf32, #tpu.memory_space<hbm>> -> memref<1x4x4096xf32, #tpu.memory_space<hbm>>
      %dma_wait3A_188 = tpu.memref_squeeze %dma_wait3A_187 : memref<1x4x4096xf32, #tpu.memory_space<hbm>> -> memref<4x4096xf32, #tpu.memory_space<hbm>>
      tpu.wait_dma2 semaphore(%arg15 : memref<!tpu.dma_semaphore, #tpu.memory_space<semaphore_mem>>) src(%dma_wait3A_188 : memref<4x4096xf32, #tpu.memory_space<hbm>>) dst(%arg7 : memref<4x4096xf32, #tpu.memory_space<vmem>>)
      %dma_wait3A_189 = arith.constant 0 : i32
      %dma_wait3A_190 = tpu.memref_slice %arg3[%add3A_180, %dma_wait3A_189] : memref<2048x4096xf32, #tpu.memory_space<hbm>> -> memref<1x4096xf32, #tpu.memory_space<hbm>>
      %dma_wait3A_191 = tpu.memref_squeeze %dma_wait3A_190 : memref<1x4096xf32, #tpu.memory_space<hbm>> -> memref<4096xf32, #tpu.memory_space<hbm>>
      %dma_wait3A_192 = arith.constant 0 : i32
      %dma_wait3A_193 = tpu.memref_slice %arg3[%add3A_180, %dma_wait3A_192] : memref<2048x4096xf32, #tpu.memory_space<hbm>> -> memref<1x4096xf32, #tpu.memory_space<hbm>>
      %dma_wait3A_194 = tpu.memref_squeeze %dma_wait3A_193 : memref<1x4096xf32, #tpu.memory_space<hbm>> -> memref<4096xf32, #tpu.memory_space<hbm>>
      tpu.wait_dma2 semaphore(%arg15 : memref<!tpu.dma_semaphore, #tpu.memory_space<semaphore_mem>>) src(%dma_wait3A_194 : memref<4096xf32, #tpu.memory_space<hbm>>) dst(%arg11 : memref<4096xf32, #tpu.memory_space<vmem>>)
      %dma_start3A_195 = arith.constant 0 : i32
      %dma_start3A_196 = arith.constant 0 : i32
      %dma_start3A_197 = tpu.memref_slice %arg4[%add3A_180, %dma_start3A_195, %dma_start3A_196] : memref<2048x4x4096xf32, #tpu.memory_space<hbm>> -> memref<1x4x4096xf32, #tpu.memory_space<hbm>>
      %dma_start3A_198 = tpu.memref_squeeze %dma_start3A_197 : memref<1x4x4096xf32, #tpu.memory_space<hbm>> -> memref<4x4096xf32, #tpu.memory_space<hbm>>
      %dma_start3A_199 = arith.constant 0 : i32
      %dma_start3A_200 = arith.constant 0 : i32
      %dma_start3A_201 = tpu.memref_slice %arg4[%add3A_180, %dma_start3A_199, %dma_start3A_200] : memref<2048x4x4096xf32, #tpu.memory_space<hbm>> -> memref<1x4x4096xf32, #tpu.memory_space<hbm>>
      %dma_start3A_202 = tpu.memref_squeeze %dma_start3A_201 : memref<1x4x4096xf32, #tpu.memory_space<hbm>> -> memref<4x4096xf32, #tpu.memory_space<hbm>>
      tpu.enqueue_dma source(%arg7 : memref<4x4096xf32, #tpu.memory_space<vmem>>) target(%dma_start3A_202 : memref<4x4096xf32, #tpu.memory_space<hbm>>) target_semaphore(%arg19 : memref<!tpu.dma_semaphore, #tpu.memory_space<semaphore_mem>>)
      %add3A_203 = arith.constant 3 : i32
      %add3A_204 = arith.addi %add3A_130, %add3A_203 : i32
      %dma_wait3A_205 = arith.constant 0 : i32
      %dma_wait3A_206 = arith.constant 0 : i32
      %dma_wait3A_207 = tpu.memref_slice %arg2[%add3A_204, %dma_wait3A_205, %dma_wait3A_206] : memref<2048x4x4096xf32, #tpu.memory_space<hbm>> -> memref<1x4x4096xf32, #tpu.memory_space<hbm>>
      %dma_wait3A_208 = tpu.memref_squeeze %dma_wait3A_207 : memref<1x4x4096xf32, #tpu.memory_space<hbm>> -> memref<4x4096xf32, #tpu.memory_space<hbm>>
      %dma_wait3A_209 = arith.constant 0 : i32
      %dma_wait3A_210 = arith.constant 0 : i32
      %dma_wait3A_211 = tpu.memref_slice %arg2[%add3A_204, %dma_wait3A_209, %dma_wait3A_210] : memref<2048x4x4096xf32, #tpu.memory_space<hbm>> -> memref<1x4x4096xf32, #tpu.memory_space<hbm>>
      %dma_wait3A_212 = tpu.memref_squeeze %dma_wait3A_211 : memref<1x4x4096xf32, #tpu.memory_space<hbm>> -> memref<4x4096xf32, #tpu.memory_space<hbm>>
      tpu.wait_dma2 semaphore(%arg16 : memref<!tpu.dma_semaphore, #tpu.memory_space<semaphore_mem>>) src(%dma_wait3A_212 : memref<4x4096xf32, #tpu.memory_space<hbm>>) dst(%arg8 : memref<4x4096xf32, #tpu.memory_space<vmem>>)
      %dma_wait3A_213 = arith.constant 0 : i32
      %dma_wait3A_214 = tpu.memref_slice %arg3[%add3A_204, %dma_wait3A_213] : memref<2048x4096xf32, #tpu.memory_space<hbm>> -> memref<1x4096xf32, #tpu.memory_space<hbm>>
      %dma_wait3A_215 = tpu.memref_squeeze %dma_wait3A_214 : memref<1x4096xf32, #tpu.memory_space<hbm>> -> memref<4096xf32, #tpu.memory_space<hbm>>
      %dma_wait3A_216 = arith.constant 0 : i32
      %dma_wait3A_217 = tpu.memref_slice %arg3[%add3A_204, %dma_wait3A_216] : memref<2048x4096xf32, #tpu.memory_space<hbm>> -> memref<1x4096xf32, #tpu.memory_space<hbm>>
      %dma_wait3A_218 = tpu.memref_squeeze %dma_wait3A_217 : memref<1x4096xf32, #tpu.memory_space<hbm>> -> memref<4096xf32, #tpu.memory_space<hbm>>
      tpu.wait_dma2 semaphore(%arg16 : memref<!tpu.dma_semaphore, #tpu.memory_space<semaphore_mem>>) src(%dma_wait3A_218 : memref<4096xf32, #tpu.memory_space<hbm>>) dst(%arg12 : memref<4096xf32, #tpu.memory_space<vmem>>)
      %dma_start3A_219 = arith.constant 0 : i32
      %dma_start3A_220 = arith.constant 0 : i32
      %dma_start3A_221 = tpu.memref_slice %arg4[%add3A_204, %dma_start3A_219, %dma_start3A_220] : memref<2048x4x4096xf32, #tpu.memory_space<hbm>> -> memref<1x4x4096xf32, #tpu.memory_space<hbm>>
      %dma_start3A_222 = tpu.memref_squeeze %dma_start3A_221 : memref<1x4x4096xf32, #tpu.memory_space<hbm>> -> memref<4x4096xf32, #tpu.memory_space<hbm>>
      %dma_start3A_223 = arith.constant 0 : i32
      %dma_start3A_224 = arith.constant 0 : i32
      %dma_start3A_225 = tpu.memref_slice %arg4[%add3A_204, %dma_start3A_223, %dma_start3A_224] : memref<2048x4x4096xf32, #tpu.memory_space<hbm>> -> memref<1x4x4096xf32, #tpu.memory_space<hbm>>
      %dma_start3A_226 = tpu.memref_squeeze %dma_start3A_225 : memref<1x4x4096xf32, #tpu.memory_space<hbm>> -> memref<4x4096xf32, #tpu.memory_space<hbm>>
      tpu.enqueue_dma source(%arg8 : memref<4x4096xf32, #tpu.memory_space<vmem>>) target(%dma_start3A_226 : memref<4x4096xf32, #tpu.memory_space<hbm>>) target_semaphore(%arg20 : memref<!tpu.dma_semaphore, #tpu.memory_space<semaphore_mem>>)
      %lt3A = arith.constant 15 : i32
      %lt3A_227 = arith.cmpi slt, %scan3A_126, %lt3A : i32
      %convert_element_type3A = arith.extui %lt3A_227 : i1 to i32
      %cond3A = arith.constant 0 : i32
      %cond3A_228 = arith.cmpi ne, %convert_element_type3A, %cond3A : i32
      scf.if %cond3A_228 {
        %add3A_230 = arith.constant 0 : i32
        %add3A_231 = arith.addi %add3A_130, %add3A_230 : i32
        %dma_wait3A_232 = arith.constant 0 : i32
        %dma_wait3A_233 = arith.constant 0 : i32
        %dma_wait3A_234 = tpu.memref_slice %arg4[%add3A_231, %dma_wait3A_232, %dma_wait3A_233] : memref<2048x4x4096xf32, #tpu.memory_space<hbm>> -> memref<1x4x4096xf32, #tpu.memory_space<hbm>>
        %dma_wait3A_235 = tpu.memref_squeeze %dma_wait3A_234 : memref<1x4x4096xf32, #tpu.memory_space<hbm>> -> memref<4x4096xf32, #tpu.memory_space<hbm>>
        %dma_wait3A_236 = arith.constant 0 : i32
        %dma_wait3A_237 = arith.constant 0 : i32
        %dma_wait3A_238 = tpu.memref_slice %arg4[%add3A_231, %dma_wait3A_236, %dma_wait3A_237] : memref<2048x4x4096xf32, #tpu.memory_space<hbm>> -> memref<1x4x4096xf32, #tpu.memory_space<hbm>>
        %dma_wait3A_239 = tpu.memref_squeeze %dma_wait3A_238 : memref<1x4x4096xf32, #tpu.memory_space<hbm>> -> memref<4x4096xf32, #tpu.memory_space<hbm>>
        tpu.wait_dma2 semaphore(%arg17 : memref<!tpu.dma_semaphore, #tpu.memory_space<semaphore_mem>>) src(%arg5 : memref<4x4096xf32, #tpu.memory_space<vmem>>) dst(%dma_wait3A_239 : memref<4x4096xf32, #tpu.memory_space<hbm>>)
        %add3A_240 = arith.constant 4 : i32
        %add3A_241 = arith.addi %add3A_231, %add3A_240 : i32
        %dma_start3A_242 = arith.constant 0 : i32
        %dma_start3A_243 = arith.constant 0 : i32
        %dma_start3A_244 = tpu.memref_slice %arg2[%add3A_241, %dma_start3A_242, %dma_start3A_243] : memref<2048x4x4096xf32, #tpu.memory_space<hbm>> -> memref<1x4x4096xf32, #tpu.memory_space<hbm>>
        %dma_start3A_245 = tpu.memref_squeeze %dma_start3A_244 : memref<1x4x4096xf32, #tpu.memory_space<hbm>> -> memref<4x4096xf32, #tpu.memory_space<hbm>>
        %dma_start3A_246 = arith.constant 0 : i32
        %dma_start3A_247 = arith.constant 0 : i32
        %dma_start3A_248 = tpu.memref_slice %arg2[%add3A_241, %dma_start3A_246, %dma_start3A_247] : memref<2048x4x4096xf32, #tpu.memory_space<hbm>> -> memref<1x4x4096xf32, #tpu.memory_space<hbm>>
        %dma_start3A_249 = tpu.memref_squeeze %dma_start3A_248 : memref<1x4x4096xf32, #tpu.memory_space<hbm>> -> memref<4x4096xf32, #tpu.memory_space<hbm>>
        tpu.enqueue_dma source(%dma_start3A_249 : memref<4x4096xf32, #tpu.memory_space<hbm>>) target(%arg5 : memref<4x4096xf32, #tpu.memory_space<vmem>>) target_semaphore(%arg13 : memref<!tpu.dma_semaphore, #tpu.memory_space<semaphore_mem>>)
        %dma_start3A_250 = arith.constant 0 : i32
        %dma_start3A_251 = tpu.memref_slice %arg3[%add3A_241, %dma_start3A_250] : memref<2048x4096xf32, #tpu.memory_space<hbm>> -> memref<1x4096xf32, #tpu.memory_space<hbm>>
        %dma_start3A_252 = tpu.memref_squeeze %dma_start3A_251 : memref<1x4096xf32, #tpu.memory_space<hbm>> -> memref<4096xf32, #tpu.memory_space<hbm>>
        %dma_start3A_253 = arith.constant 0 : i32
        %dma_start3A_254 = tpu.memref_slice %arg3[%add3A_241, %dma_start3A_253] : memref<2048x4096xf32, #tpu.memory_space<hbm>> -> memref<1x4096xf32, #tpu.memory_space<hbm>>
        %dma_start3A_255 = tpu.memref_squeeze %dma_start3A_254 : memref<1x4096xf32, #tpu.memory_space<hbm>> -> memref<4096xf32, #tpu.memory_space<hbm>>
        tpu.enqueue_dma source(%dma_start3A_255 : memref<4096xf32, #tpu.memory_space<hbm>>) target(%arg9 : memref<4096xf32, #tpu.memory_space<vmem>>) target_semaphore(%arg13 : memref<!tpu.dma_semaphore, #tpu.memory_space<semaphore_mem>>)
        %add3A_256 = arith.constant 1 : i32
        %add3A_257 = arith.addi %add3A_130, %add3A_256 : i32
        %dma_wait3A_258 = arith.constant 0 : i32
        %dma_wait3A_259 = arith.constant 0 : i32
        %dma_wait3A_260 = tpu.memref_slice %arg4[%add3A_257, %dma_wait3A_258, %dma_wait3A_259] : memref<2048x4x4096xf32, #tpu.memory_space<hbm>> -> memref<1x4x4096xf32, #tpu.memory_space<hbm>>
        %dma_wait3A_261 = tpu.memref_squeeze %dma_wait3A_260 : memref<1x4x4096xf32, #tpu.memory_space<hbm>> -> memref<4x4096xf32, #tpu.memory_space<hbm>>
        %dma_wait3A_262 = arith.constant 0 : i32
        %dma_wait3A_263 = arith.constant 0 : i32
        %dma_wait3A_264 = tpu.memref_slice %arg4[%add3A_257, %dma_wait3A_262, %dma_wait3A_263] : memref<2048x4x4096xf32, #tpu.memory_space<hbm>> -> memref<1x4x4096xf32, #tpu.memory_space<hbm>>
        %dma_wait3A_265 = tpu.memref_squeeze %dma_wait3A_264 : memref<1x4x4096xf32, #tpu.memory_space<hbm>> -> memref<4x4096xf32, #tpu.memory_space<hbm>>
        tpu.wait_dma2 semaphore(%arg18 : memref<!tpu.dma_semaphore, #tpu.memory_space<semaphore_mem>>) src(%arg6 : memref<4x4096xf32, #tpu.memory_space<vmem>>) dst(%dma_wait3A_265 : memref<4x4096xf32, #tpu.memory_space<hbm>>)
        %add3A_266 = arith.constant 4 : i32
        %add3A_267 = arith.addi %add3A_257, %add3A_266 : i32
        %dma_start3A_268 = arith.constant 0 : i32
        %dma_start3A_269 = arith.constant 0 : i32
        %dma_start3A_270 = tpu.memref_slice %arg2[%add3A_267, %dma_start3A_268, %dma_start3A_269] : memref<2048x4x4096xf32, #tpu.memory_space<hbm>> -> memref<1x4x4096xf32, #tpu.memory_space<hbm>>
        %dma_start3A_271 = tpu.memref_squeeze %dma_start3A_270 : memref<1x4x4096xf32, #tpu.memory_space<hbm>> -> memref<4x4096xf32, #tpu.memory_space<hbm>>
        %dma_start3A_272 = arith.constant 0 : i32
        %dma_start3A_273 = arith.constant 0 : i32
        %dma_start3A_274 = tpu.memref_slice %arg2[%add3A_267, %dma_start3A_272, %dma_start3A_273] : memref<2048x4x4096xf32, #tpu.memory_space<hbm>> -> memref<1x4x4096xf32, #tpu.memory_space<hbm>>
        %dma_start3A_275 = tpu.memref_squeeze %dma_start3A_274 : memref<1x4x4096xf32, #tpu.memory_space<hbm>> -> memref<4x4096xf32, #tpu.memory_space<hbm>>
        tpu.enqueue_dma source(%dma_start3A_275 : memref<4x4096xf32, #tpu.memory_space<hbm>>) target(%arg6 : memref<4x4096xf32, #tpu.memory_space<vmem>>) target_semaphore(%arg14 : memref<!tpu.dma_semaphore, #tpu.memory_space<semaphore_mem>>)
        %dma_start3A_276 = arith.constant 0 : i32
        %dma_start3A_277 = tpu.memref_slice %arg3[%add3A_267, %dma_start3A_276] : memref<2048x4096xf32, #tpu.memory_space<hbm>> -> memref<1x4096xf32, #tpu.memory_space<hbm>>
        %dma_start3A_278 = tpu.memref_squeeze %dma_start3A_277 : memref<1x4096xf32, #tpu.memory_space<hbm>> -> memref<4096xf32, #tpu.memory_space<hbm>>
        %dma_start3A_279 = arith.constant 0 : i32
        %dma_start3A_280 = tpu.memref_slice %arg3[%add3A_267, %dma_start3A_279] : memref<2048x4096xf32, #tpu.memory_space<hbm>> -> memref<1x4096xf32, #tpu.memory_space<hbm>>
        %dma_start3A_281 = tpu.memref_squeeze %dma_start3A_280 : memref<1x4096xf32, #tpu.memory_space<hbm>> -> memref<4096xf32, #tpu.memory_space<hbm>>
        tpu.enqueue_dma source(%dma_start3A_281 : memref<4096xf32, #tpu.memory_space<hbm>>) target(%arg10 : memref<4096xf32, #tpu.memory_space<vmem>>) target_semaphore(%arg14 : memref<!tpu.dma_semaphore, #tpu.memory_space<semaphore_mem>>)
        %add3A_282 = arith.constant 2 : i32
        %add3A_283 = arith.addi %add3A_130, %add3A_282 : i32
        %dma_wait3A_284 = arith.constant 0 : i32
        %dma_wait3A_285 = arith.constant 0 : i32
        %dma_wait3A_286 = tpu.memref_slice %arg4[%add3A_283, %dma_wait3A_284, %dma_wait3A_285] : memref<2048x4x4096xf32, #tpu.memory_space<hbm>> -> memref<1x4x4096xf32, #tpu.memory_space<hbm>>
        %dma_wait3A_287 = tpu.memref_squeeze %dma_wait3A_286 : memref<1x4x4096xf32, #tpu.memory_space<hbm>> -> memref<4x4096xf32, #tpu.memory_space<hbm>>
        %dma_wait3A_288 = arith.constant 0 : i32
        %dma_wait3A_289 = arith.constant 0 : i32
        %dma_wait3A_290 = tpu.memref_slice %arg4[%add3A_283, %dma_wait3A_288, %dma_wait3A_289] : memref<2048x4x4096xf32, #tpu.memory_space<hbm>> -> memref<1x4x4096xf32, #tpu.memory_space<hbm>>
        %dma_wait3A_291 = tpu.memref_squeeze %dma_wait3A_290 : memref<1x4x4096xf32, #tpu.memory_space<hbm>> -> memref<4x4096xf32, #tpu.memory_space<hbm>>
        tpu.wait_dma2 semaphore(%arg19 : memref<!tpu.dma_semaphore, #tpu.memory_space<semaphore_mem>>) src(%arg7 : memref<4x4096xf32, #tpu.memory_space<vmem>>) dst(%dma_wait3A_291 : memref<4x4096xf32, #tpu.memory_space<hbm>>)
        %add3A_292 = arith.constant 4 : i32
        %add3A_293 = arith.addi %add3A_283, %add3A_292 : i32
        %dma_start3A_294 = arith.constant 0 : i32
        %dma_start3A_295 = arith.constant 0 : i32
        %dma_start3A_296 = tpu.memref_slice %arg2[%add3A_293, %dma_start3A_294, %dma_start3A_295] : memref<2048x4x4096xf32, #tpu.memory_space<hbm>> -> memref<1x4x4096xf32, #tpu.memory_space<hbm>>
        %dma_start3A_297 = tpu.memref_squeeze %dma_start3A_296 : memref<1x4x4096xf32, #tpu.memory_space<hbm>> -> memref<4x4096xf32, #tpu.memory_space<hbm>>
        %dma_start3A_298 = arith.constant 0 : i32
        %dma_start3A_299 = arith.constant 0 : i32
        %dma_start3A_300 = tpu.memref_slice %arg2[%add3A_293, %dma_start3A_298, %dma_start3A_299] : memref<2048x4x4096xf32, #tpu.memory_space<hbm>> -> memref<1x4x4096xf32, #tpu.memory_space<hbm>>
        %dma_start3A_301 = tpu.memref_squeeze %dma_start3A_300 : memref<1x4x4096xf32, #tpu.memory_space<hbm>> -> memref<4x4096xf32, #tpu.memory_space<hbm>>
        tpu.enqueue_dma source(%dma_start3A_301 : memref<4x4096xf32, #tpu.memory_space<hbm>>) target(%arg7 : memref<4x4096xf32, #tpu.memory_space<vmem>>) target_semaphore(%arg15 : memref<!tpu.dma_semaphore, #tpu.memory_space<semaphore_mem>>)
        %dma_start3A_302 = arith.constant 0 : i32
        %dma_start3A_303 = tpu.memref_slice %arg3[%add3A_293, %dma_start3A_302] : memref<2048x4096xf32, #tpu.memory_space<hbm>> -> memref<1x4096xf32, #tpu.memory_space<hbm>>
        %dma_start3A_304 = tpu.memref_squeeze %dma_start3A_303 : memref<1x4096xf32, #tpu.memory_space<hbm>> -> memref<4096xf32, #tpu.memory_space<hbm>>
        %dma_start3A_305 = arith.constant 0 : i32
        %dma_start3A_306 = tpu.memref_slice %arg3[%add3A_293, %dma_start3A_305] : memref<2048x4096xf32, #tpu.memory_space<hbm>> -> memref<1x4096xf32, #tpu.memory_space<hbm>>
        %dma_start3A_307 = tpu.memref_squeeze %dma_start3A_306 : memref<1x4096xf32, #tpu.memory_space<hbm>> -> memref<4096xf32, #tpu.memory_space<hbm>>
        tpu.enqueue_dma source(%dma_start3A_307 : memref<4096xf32, #tpu.memory_space<hbm>>) target(%arg11 : memref<4096xf32, #tpu.memory_space<vmem>>) target_semaphore(%arg15 : memref<!tpu.dma_semaphore, #tpu.memory_space<semaphore_mem>>)
        %add3A_308 = arith.constant 3 : i32
        %add3A_309 = arith.addi %add3A_130, %add3A_308 : i32
        %dma_wait3A_310 = arith.constant 0 : i32
        %dma_wait3A_311 = arith.constant 0 : i32
        %dma_wait3A_312 = tpu.memref_slice %arg4[%add3A_309, %dma_wait3A_310, %dma_wait3A_311] : memref<2048x4x4096xf32, #tpu.memory_space<hbm>> -> memref<1x4x4096xf32, #tpu.memory_space<hbm>>
        %dma_wait3A_313 = tpu.memref_squeeze %dma_wait3A_312 : memref<1x4x4096xf32, #tpu.memory_space<hbm>> -> memref<4x4096xf32, #tpu.memory_space<hbm>>
        %dma_wait3A_314 = arith.constant 0 : i32
        %dma_wait3A_315 = arith.constant 0 : i32
        %dma_wait3A_316 = tpu.memref_slice %arg4[%add3A_309, %dma_wait3A_314, %dma_wait3A_315] : memref<2048x4x4096xf32, #tpu.memory_space<hbm>> -> memref<1x4x4096xf32, #tpu.memory_space<hbm>>
        %dma_wait3A_317 = tpu.memref_squeeze %dma_wait3A_316 : memref<1x4x4096xf32, #tpu.memory_space<hbm>> -> memref<4x4096xf32, #tpu.memory_space<hbm>>
        tpu.wait_dma2 semaphore(%arg20 : memref<!tpu.dma_semaphore, #tpu.memory_space<semaphore_mem>>) src(%arg8 : memref<4x4096xf32, #tpu.memory_space<vmem>>) dst(%dma_wait3A_317 : memref<4x4096xf32, #tpu.memory_space<hbm>>)
        %add3A_318 = arith.constant 4 : i32
        %add3A_319 = arith.addi %add3A_309, %add3A_318 : i32
        %dma_start3A_320 = arith.constant 0 : i32
        %dma_start3A_321 = arith.constant 0 : i32
        %dma_start3A_322 = tpu.memref_slice %arg2[%add3A_319, %dma_start3A_320, %dma_start3A_321] : memref<2048x4x4096xf32, #tpu.memory_space<hbm>> -> memref<1x4x4096xf32, #tpu.memory_space<hbm>>
        %dma_start3A_323 = tpu.memref_squeeze %dma_start3A_322 : memref<1x4x4096xf32, #tpu.memory_space<hbm>> -> memref<4x4096xf32, #tpu.memory_space<hbm>>
        %dma_start3A_324 = arith.constant 0 : i32
        %dma_start3A_325 = arith.constant 0 : i32
        %dma_start3A_326 = tpu.memref_slice %arg2[%add3A_319, %dma_start3A_324, %dma_start3A_325] : memref<2048x4x4096xf32, #tpu.memory_space<hbm>> -> memref<1x4x4096xf32, #tpu.memory_space<hbm>>
        %dma_start3A_327 = tpu.memref_squeeze %dma_start3A_326 : memref<1x4x4096xf32, #tpu.memory_space<hbm>> -> memref<4x4096xf32, #tpu.memory_space<hbm>>
        tpu.enqueue_dma source(%dma_start3A_327 : memref<4x4096xf32, #tpu.memory_space<hbm>>) target(%arg8 : memref<4x4096xf32, #tpu.memory_space<vmem>>) target_semaphore(%arg16 : memref<!tpu.dma_semaphore, #tpu.memory_space<semaphore_mem>>)
        %dma_start3A_328 = arith.constant 0 : i32
        %dma_start3A_329 = tpu.memref_slice %arg3[%add3A_319, %dma_start3A_328] : memref<2048x4096xf32, #tpu.memory_space<hbm>> -> memref<1x4096xf32, #tpu.memory_space<hbm>>
        %dma_start3A_330 = tpu.memref_squeeze %dma_start3A_329 : memref<1x4096xf32, #tpu.memory_space<hbm>> -> memref<4096xf32, #tpu.memory_space<hbm>>
        %dma_start3A_331 = arith.constant 0 : i32
        %dma_start3A_332 = tpu.memref_slice %arg3[%add3A_319, %dma_start3A_331] : memref<2048x4096xf32, #tpu.memory_space<hbm>> -> memref<1x4096xf32, #tpu.memory_space<hbm>>
        %dma_start3A_333 = tpu.memref_squeeze %dma_start3A_332 : memref<1x4096xf32, #tpu.memory_space<hbm>> -> memref<4096xf32, #tpu.memory_space<hbm>>
        tpu.enqueue_dma source(%dma_start3A_333 : memref<4096xf32, #tpu.memory_space<hbm>>) target(%arg12 : memref<4096xf32, #tpu.memory_space<vmem>>) target_semaphore(%arg16 : memref<!tpu.dma_semaphore, #tpu.memory_space<semaphore_mem>>)
      } else {
      }
      %scan3A_229 = arith.constant 0 : i32
      scf.yield %scan3A_229 : i32
    }
    %scan3A_71 = arith.constant 16 : i32
    %add3A_72 = arith.constant 64 : i32
    %add3A_73 = arith.addi %mul3A_2, %add3A_72 : i32
    %sub3A = arith.constant 4 : i32
    %sub3A_74 = arith.subi %add3A_73, %sub3A : i32
    %add3A_75 = arith.constant 0 : i32
    %add3A_76 = arith.addi %sub3A_74, %add3A_75 : i32
    %dma_wait3A = arith.constant 0 : i32
    %dma_wait3A_77 = arith.constant 0 : i32
    %dma_wait3A_78 = tpu.memref_slice %arg4[%add3A_76, %dma_wait3A, %dma_wait3A_77] : memref<2048x4x4096xf32, #tpu.memory_space<hbm>> -> memref<1x4x4096xf32, #tpu.memory_space<hbm>>
    %dma_wait3A_79 = tpu.memref_squeeze %dma_wait3A_78 : memref<1x4x4096xf32, #tpu.memory_space<hbm>> -> memref<4x4096xf32, #tpu.memory_space<hbm>>
    %dma_wait3A_80 = arith.constant 0 : i32
    %dma_wait3A_81 = arith.constant 0 : i32
    %dma_wait3A_82 = tpu.memref_slice %arg4[%add3A_76, %dma_wait3A_80, %dma_wait3A_81] : memref<2048x4x4096xf32, #tpu.memory_space<hbm>> -> memref<1x4x4096xf32, #tpu.memory_space<hbm>>
    %dma_wait3A_83 = tpu.memref_squeeze %dma_wait3A_82 : memref<1x4x4096xf32, #tpu.memory_space<hbm>> -> memref<4x4096xf32, #tpu.memory_space<hbm>>
    tpu.wait_dma2 semaphore(%arg17 : memref<!tpu.dma_semaphore, #tpu.memory_space<semaphore_mem>>) src(%arg5 : memref<4x4096xf32, #tpu.memory_space<vmem>>) dst(%dma_wait3A_83 : memref<4x4096xf32, #tpu.memory_space<hbm>>)
    %add3A_84 = arith.constant 64 : i32
    %add3A_85 = arith.addi %mul3A_2, %add3A_84 : i32
    %sub3A_86 = arith.constant 4 : i32
    %sub3A_87 = arith.subi %add3A_85, %sub3A_86 : i32
    %add3A_88 = arith.constant 1 : i32
    %add3A_89 = arith.addi %sub3A_87, %add3A_88 : i32
    %dma_wait3A_90 = arith.constant 0 : i32
    %dma_wait3A_91 = arith.constant 0 : i32
    %dma_wait3A_92 = tpu.memref_slice %arg4[%add3A_89, %dma_wait3A_90, %dma_wait3A_91] : memref<2048x4x4096xf32, #tpu.memory_space<hbm>> -> memref<1x4x4096xf32, #tpu.memory_space<hbm>>
    %dma_wait3A_93 = tpu.memref_squeeze %dma_wait3A_92 : memref<1x4x4096xf32, #tpu.memory_space<hbm>> -> memref<4x4096xf32, #tpu.memory_space<hbm>>
    %dma_wait3A_94 = arith.constant 0 : i32
    %dma_wait3A_95 = arith.constant 0 : i32
    %dma_wait3A_96 = tpu.memref_slice %arg4[%add3A_89, %dma_wait3A_94, %dma_wait3A_95] : memref<2048x4x4096xf32, #tpu.memory_space<hbm>> -> memref<1x4x4096xf32, #tpu.memory_space<hbm>>
    %dma_wait3A_97 = tpu.memref_squeeze %dma_wait3A_96 : memref<1x4x4096xf32, #tpu.memory_space<hbm>> -> memref<4x4096xf32, #tpu.memory_space<hbm>>
    tpu.wait_dma2 semaphore(%arg18 : memref<!tpu.dma_semaphore, #tpu.memory_space<semaphore_mem>>) src(%arg6 : memref<4x4096xf32, #tpu.memory_space<vmem>>) dst(%dma_wait3A_97 : memref<4x4096xf32, #tpu.memory_space<hbm>>)
    %add3A_98 = arith.constant 64 : i32
    %add3A_99 = arith.addi %mul3A_2, %add3A_98 : i32
    %sub3A_100 = arith.constant 4 : i32
    %sub3A_101 = arith.subi %add3A_99, %sub3A_100 : i32
    %add3A_102 = arith.constant 2 : i32
    %add3A_103 = arith.addi %sub3A_101, %add3A_102 : i32
    %dma_wait3A_104 = arith.constant 0 : i32
    %dma_wait3A_105 = arith.constant 0 : i32
    %dma_wait3A_106 = tpu.memref_slice %arg4[%add3A_103, %dma_wait3A_104, %dma_wait3A_105] : memref<2048x4x4096xf32, #tpu.memory_space<hbm>> -> memref<1x4x4096xf32, #tpu.memory_space<hbm>>
    %dma_wait3A_107 = tpu.memref_squeeze %dma_wait3A_106 : memref<1x4x4096xf32, #tpu.memory_space<hbm>> -> memref<4x4096xf32, #tpu.memory_space<hbm>>
    %dma_wait3A_108 = arith.constant 0 : i32
    %dma_wait3A_109 = arith.constant 0 : i32
    %dma_wait3A_110 = tpu.memref_slice %arg4[%add3A_103, %dma_wait3A_108, %dma_wait3A_109] : memref<2048x4x4096xf32, #tpu.memory_space<hbm>> -> memref<1x4x4096xf32, #tpu.memory_space<hbm>>
    %dma_wait3A_111 = tpu.memref_squeeze %dma_wait3A_110 : memref<1x4x4096xf32, #tpu.memory_space<hbm>> -> memref<4x4096xf32, #tpu.memory_space<hbm>>
    tpu.wait_dma2 semaphore(%arg19 : memref<!tpu.dma_semaphore, #tpu.memory_space<semaphore_mem>>) src(%arg7 : memref<4x4096xf32, #tpu.memory_space<vmem>>) dst(%dma_wait3A_111 : memref<4x4096xf32, #tpu.memory_space<hbm>>)
    %add3A_112 = arith.constant 64 : i32
    %add3A_113 = arith.addi %mul3A_2, %add3A_112 : i32
    %sub3A_114 = arith.constant 4 : i32
    %sub3A_115 = arith.subi %add3A_113, %sub3A_114 : i32
    %add3A_116 = arith.constant 3 : i32
    %add3A_117 = arith.addi %sub3A_115, %add3A_116 : i32
    %dma_wait3A_118 = arith.constant 0 : i32
    %dma_wait3A_119 = arith.constant 0 : i32
    %dma_wait3A_120 = tpu.memref_slice %arg4[%add3A_117, %dma_wait3A_118, %dma_wait3A_119] : memref<2048x4x4096xf32, #tpu.memory_space<hbm>> -> memref<1x4x4096xf32, #tpu.memory_space<hbm>>
    %dma_wait3A_121 = tpu.memref_squeeze %dma_wait3A_120 : memref<1x4x4096xf32, #tpu.memory_space<hbm>> -> memref<4x4096xf32, #tpu.memory_space<hbm>>
    %dma_wait3A_122 = arith.constant 0 : i32
    %dma_wait3A_123 = arith.constant 0 : i32
    %dma_wait3A_124 = tpu.memref_slice %arg4[%add3A_117, %dma_wait3A_122, %dma_wait3A_123] : memref<2048x4x4096xf32, #tpu.memory_space<hbm>> -> memref<1x4x4096xf32, #tpu.memory_space<hbm>>
    %dma_wait3A_125 = tpu.memref_squeeze %dma_wait3A_124 : memref<1x4x4096xf32, #tpu.memory_space<hbm>> -> memref<4x4096xf32, #tpu.memory_space<hbm>>
    tpu.wait_dma2 semaphore(%arg20 : memref<!tpu.dma_semaphore, #tpu.memory_space<semaphore_mem>>) src(%arg8 : memref<4x4096xf32, #tpu.memory_space<vmem>>) dst(%dma_wait3A_125 : memref<4x4096xf32, #tpu.memory_space<hbm>>)
    return
  }
}

</mosaic_0001>

<sc_bundles>
// kernel: kernel.3.cloned.1.call-start
scs
__scs_entry_jumppad:
0x0: {  	(pc) =	sbr.rel $0x88, $3  }
0x1: {  	(tag) =	ssettag $0x0;
	lr =	simm.s32 $0x1  }
0x2: {  	[smem:$0x3F9F] =	sst lr;
	_ =	strace $0xD0000000  }
0x3: {  	_ = 	snop  }
0x4: {  	_ = 	snop  }
0x5: {  	_ = 	snop  }
0x6: {  	_ = 	snop  }
0x7: {  	_ = 	snop  }
__scs_overlays_trampoline_lowered:
0x8: {  	[smem:$0x3FAE] =	sst s0  }
0x9: {  	[smem:$0x3FAF] =	sst s1  }
0xa: {  	[smem:$0x3FB0] =	sst s2  }
0xb: {  	[smem:$0x3FB1] =	sst s3  }
0xc: {  	[smem:$0x3FB2] =	sst s4  }
0xd: {  	[smem:$0x3FB3] =	sst s5  }
0xe: {  	[smem:$0x3FB4] =	sst s6  }
0xf: {  	[smem:$0x3FB5] =	sst s7  }
0x10: {  	[smem:$0x3FB6] =	sst s8  }
0x11: {  	[smem:$0x3FB7] =	sst s9;
	s0 =	simm.s32 @!p0 $0x0  }
0x12: {  	s1 =	sld [smem:$0x3F9D];
	s0 =	simm.s32 @p0 $0x1  }
0x13: {  	[smem:$0x3FB8] =	sst s0;
	s0 =	simm.s32 @!p1 $0x0  }
0x14: {  	s2 =	sld [smem:$0x3F9C];
	s0 =	simm.s32 @p1 $0x1  }
0x15: {  	[smem:$0x3FB9] =	sst s0;
	s0 =	simm.s32 @!p2 $0x0  }
0x16: {  	s3 =	sld [smem:$0x3FDB];
	s0 =	simm.s32 @p2 $0x1  }
0x17: {  	s4 =	simm.s32 $0x1BF5;
	[smem:$0x3FBB] =	sst s0  }
0x18: {  	s0 =	sld [smem:$0x3F9E];
	_ =	swait.ge [sflag:s4], $0x0  }
0x19: {  	s7 =	sld [smem:$0x3F9F]  }
0x1a: {  	s8 =	sadd.s32 $0xFFFFE003, lr  }
0x1b: {  	s9 =	sadd.s32 $0xFFFFFEF7, lr;
	s5 =	simm.s32 $0xFFFFFFFF;
	p2 =	slt.u32 s8, $0xFFFFF086  }
0x1c: {  	p1 =	slt.u32 s9, $0xF7A;
	s5 =	simm.s32 @!p2 $0x0  }
0x1d: {  	s5 =	simm.s32 @p1 $0x1;
	p0 =	seq.s32 s7, s2  }
0x1e: {  	s7 =	smul.u32 @!p0 $0xF7A, s2;
	p2 =	seq.s32 @!p0 s5, $0x0  }
0x1f: {  	s9 =	smul.u32 $0xF7A, s1;
	s8 =	simm.s32 @!p0 $0x1BF5;
	p2 =	por !p2, p0  }
0x20: {  	[sflag:s8] =	ssyncset.s32 @!p0 $0xFFFFF086;
	s6 =	sadd.s32 @!p0 s3, s7;
	s7 =	simm.s32 @!p0 $0x108  }
0x21: {  	s3 =	sadd.s32 s3, s9;
	s6 =	sadd.s32 @!p0 $0x88, s6;
	s7 =	simm.s32 @p2 $0x1082  }
0x22: {  	[simem:s7], [sflag:s8] =	dma.local @!p0 [hbm:s6], $0xF7A  }
0x23: {  	s9 =	sor.u32 $0xD0000000, s2;
	s6 =	simm.s32 $0x108;
	_ =	swait.ge @!p0 [sflag:s8], $0x0  }
0x24: {  	s3 =	sadd.s32 $0x88, s3;
	s6 =	simm.s32 @!p1 $0x1082;
	[sflag:s4] =	ssyncset.s32 $0xFFFFF086  }
0x25: {  	[simem:s6], [sflag:s4] =	dma.local [hbm:s3], $0xF7A  }
0x26: {  	[smem:$0x3F9F] =	sst s1;
	(tag) =	ssettag s2;
	_ =	strace s9  }
0x27: {  	s1 =	sld [smem:$0x3FAF]  }
0x28: {  	s2 =	sld [smem:$0x3FB0]  }
0x29: {  	s4 =	sld [smem:$0x3FB2]  }
0x2a: {  	p0 =	seq.s32 s5, $0x0;
	s5 =	sld [smem:$0x3FB3]  }
0x2b: {  	s6 =	sld [smem:$0x3FB4]  }
0x2c: {  	s7 =	sld [smem:$0x3FB5]  }
0x2d: {  	s3 =	simm.s32 $0x108;
	s8 =	sld [smem:$0x3FB6]  }
0x2e: {  	s3 =	simm.s32 @!p0 $0x1082;
	s9 =	sld [smem:$0x3FB7]  }
0x2f: {  	lr =	sadd.s32 s0, s3;
	s0 =	sld [smem:$0x3FAE]  }
0x30: {  	s3 =	sld [smem:$0x3FB1]  }
0x31: {  	[smem:$0x3FBA] =	sst s10  }
0x32: {  	s10 =	sld [smem:$0x3FB8];
	_ =	sdelay $0x3  }
0x33: {  	p0 =	seq.s32 s10, $0x1;
	s10 =	sld [smem:$0x3FBA];
	_ =	sdelay $0x3  }
0x34: {  	[smem:$0x3FBA] =	sst s10  }
0x35: {  	s10 =	sld [smem:$0x3FB9];
	_ =	sdelay $0x3  }
0x36: {  	p1 =	seq.s32 s10, $0x1;
	s10 =	sld [smem:$0x3FBA];
	_ =	sdelay $0x3  }
0x37: {  	[smem:$0x3FBA] =	sst s10  }
0x38: {  	s10 =	sld [smem:$0x3FBB]  }
0x39: {  	_ = 	snop;
	(pc) =	sbr.ind lr, $3  }
0x3a: {  	_ = 	snop  }
0x3b: {  	_ = 	snop  }
0x3c: {  	p2 =	seq.s32 s10, $0x1;
	s10 =	sld [smem:$0x3FBA]  }
0x3d: {  	_ =	shalt  }
0x3e: {  	_ =	shalt  }
0x3f: {  	_ =	shalt  }
0x40: {  	_ =	shalt  }
0x41: {  	_ =	shalt  }
0x42: {  	_ =	shalt  }
0x43: {  	_ =	shalt  }
0x44: {  	_ =	shalt  }
0x45: {  	_ =	shalt  }
0x46: {  	_ =	shalt  }
0x47: {  	_ =	shalt  }
0x48: {  	_ =	shalt  }
0x49: {  	_ =	shalt  }
0x4a: {  	_ =	shalt  }
0x4b: {  	_ =	shalt  }
0x4c: {  	_ =	shalt  }
0x4d: {  	_ =	shalt  }
0x4e: {  	_ =	shalt  }
0x4f: {  	_ =	shalt  }
0x50: {  	_ =	shalt  }
0x51: {  	_ =	shalt  }
0x52: {  	_ =	shalt  }
0x53: {  	_ =	shalt  }
0x54: {  	_ =	shalt  }
0x55: {  	_ =	shalt  }
0x56: {  	_ =	shalt  }
0x57: {  	_ =	shalt  }
0x58: {  	_ =	shalt  }
0x59: {  	_ =	shalt  }
0x5a: {  	_ =	shalt  }
0x5b: {  	_ =	shalt  }
0x5c: {  	_ =	shalt  }
0x5d: {  	_ =	shalt  }
0x5e: {  	_ =	shalt  }
0x5f: {  	_ =	shalt  }
0x60: {  	_ =	shalt  }
0x61: {  	_ =	shalt  }
0x62: {  	_ =	shalt  }
0x63: {  	_ =	shalt  }
0x64: {  	_ =	shalt  }
0x65: {  	_ =	shalt  }
0x66: {  	_ =	shalt  }
0x67: {  	_ =	shalt  }
0x68: {  	_ =	shalt  }
0x69: {  	_ =	shalt  }
0x6a: {  	_ =	shalt  }
0x6b: {  	_ =	shalt  }
0x6c: {  	_ =	shalt  }
0x6d: {  	_ =	shalt  }
0x6e: {  	_ =	shalt  }
0x6f: {  	_ =	shalt  }
0x70: {  	_ =	shalt  }
0x71: {  	_ =	shalt  }
0x72: {  	_ =	shalt  }
0x73: {  	_ =	shalt  }
0x74: {  	_ =	shalt  }
0x75: {  	_ =	shalt  }
0x76: {  	_ =	shalt  }
0x77: {  	_ =	shalt  }
0x78: {  	_ =	shalt  }
0x79: {  	_ =	shalt  }
0x7a: {  	_ =	shalt  }
0x7b: {  	_ =	shalt  }
0x7c: {  	_ =	shalt  }
0x7d: {  	_ =	shalt  }
0x7e: {  	_ =	shalt  }
0x7f: {  	_ =	shalt  }
0x80: {  	_ =	shalt  }
0x81: {  	_ =	shalt  }
0x82: {  	_ =	shalt  }
0x83: {  	_ =	shalt  }
0x84: {  	_ =	shalt  }
0x85: {  	_ =	shalt  }
0x86: {  	_ =	shalt  }
0x87: {  	_ =	shalt  }
.Lfunc_end0:
.L_simem_size_0:
called_computation_lowered:
.L_overlay_start_0:
0x88: {  	s2 =	sld [smem:$0x3FD9]  }
0x89: {  	s3 =	sld [smem:$0x3FFE];
	_ =	sdelay $0x1  }
0x8a: {  	s1 =	srdreg.scid  }
0x8b: {  	s0 =	sand.u32 $0x1, s1  }
0x8c: {  	s18 =	sshll.u32 s0, $0xA;
	s2 =	sadd.s32 s3, s2  }
0x8d: {  	s2 =	sadd.s32 s2, s18  }
0x8e: {  	[smem:$0x3FC6] =	sst s2  }
0x8f: {  	_ = 	snop  }
0x90: {  	s2 =	sld [smem:$0x3FC9]  }
0x91: {  	s19 =	sld [smem:$0x3FC8]  }
0x92: {  	s4 =	sld [smem:$0x3FD0];
	(tm) =	ssettm $0x1  }
0x93: {  	s5 =	sld [smem:$0x3FFB];
	_ =	sdelay $0x3  }
0x94: {  	_ =	strace s5  }
0x95: {  	s5 =	sld [smem:$0x3FFC];
	_ =	sdelay $0x3  }
0x96: {  	_ =	strace s5  }
0x97: {  	s5 =	sld [smem:$0x3FFD];
	_ =	sdelay $0x3  }
0x98: {  	_ =	strace s5  }
0x99: {  	_ =	strace $0x8FFFFFFF  }
0x9a: {  	s20 =	sld [smem:$0x3FDB];
	_ =	sdelay $0x1  }
0x9b: {  	s6 =	simm.s32 $_scs_section_size  }
0x9c: {  	s7 =	simm.s32 $_size__tile_overlayer_lowered;
	s8 =	simm.s32 $_tile_overlayer_lowered  }
0x9d: {  	s23 =	simm.s32 $0x1BFF;
	s22 =	sshll.u32 s8, $0x1;
	s5 =	sadd.s32 s6, s20  }
0x9e: {  	s9 =	simm.s32 $0x0;
	s21 =	sshll.u32 s7, $0x1;
	s7 =	sadd.s32 s22, s5  }
0x9f: {  	[timem:s9], [sflag:s23] =	dma.local [hbm:s7], s21  }
0xa0: {  	_ =	swait.ge [sflag:s23], s21  }
0xa1: {  	s6 =	ssub.s32 $0x0, s21;
	[sflag:s23] =	ssyncset.done $0x0  }
0xa2: {  	[sflag:s23] =	ssyncadd.s32 s6;
	_ =	sdelay $0x1  }
0xa3: {  	s24 =	simm.s32 $0x1B8B  }
0xa4: {  	_ =	swait.ge [sflag:s24], $0x1  }
0xa5: {  	[sflag:s24] =	ssyncset.done $0x0  }
0xa6: {  	s25 =	simm.s32 $0x1B8E;
	[sflag:s24] =	ssyncadd.s32 $0xFFFFFFFF  }
0xa7: {  	s26 =	simm.s32 $execute0_lowered;
	[smem:$0x3FD2] =	sst s25  }
0xa8: {  	s6 =	sshll.u32 s26, $0x1;
	_ =	strace $0x80000046;
	[dreg:$0x1] =	wrdreg $0xFFFFFFFF  }
0xa9: {  	s28 =	simm.s32 $_size_execute0_lowered;
	s5 =	sadd.s32 s5, s6;
	[dreg:$0x0] =	wrdreg $0x0  }
0xaa: {  	s6 =	sshll.u32 s28, $0x1;
	[dreg:$0x2] =	wrdreg s5  }
0xab: {  	[dreg:$0x3] =	wrdreg s6  }
0xac: {  	[dreg:$0x4] =	wrdreg $0xC0  }
0xad: {  	_ =	task [dreg:s9], $0x5FFFF  }
0xae: {  	[dreg:$0x1] =	wrdreg $0xFFFFFFFF  }
0xaf: {  	[dreg:$0x0] =	wrdreg $0x60  }
0xb0: {  	[dreg:$0x2] =	wrdreg s2  }
0xb1: {  	[dreg:$0x3] =	wrdreg s19  }
0xb2: {  	[dreg:$0x4] =	wrdreg s4  }
0xb3: {  	[dreg:$0x5] =	wrdreg $0x9  }
0xb4: {  	_ =	task.clear_ibuf [dreg:s9], $0x6FFFF;
	_ =	strace $0x90000046  }
0xb5: {  	s29 =	simm.s32 $0x9;
	_ =	strace $0x80000048  }
0xb6: {  	_ =	swait.ge [sflag:s29], $0x1  }
0xb7: {  	[sflag:s29] =	ssyncadd.s32 $0xFFFFFFFF  }
0xb8: {  	_ =	strace $0x90000048  }
0xb9: {  	_ =	sfence  }
0xba: {  	s30 =	sld [smem:$0x0];
	_ =	sdelay $0x2  }
0xbb: {  	s31 =	sshll.u32 s1, $0xD;
	s1 =	sshrl.u32 s1, $0x2  }
0xbc: {  	s3 =	sand.u32 $0x4000, s31;
	s1 =	sadd.s32 s1, s30  }
0xbd: {  	s0 =	sor.u32 s3, s0;
	s1 =	sshll.u32 s1, $0x11  }
0xbe: {  	s0 =	sor.u32 s1, s0  }
0xbf: {  	s0 =	sadd.s32 $0x8F2B, s0  }
0xc0: {  	[sflag:s0] =	ssyncadd.remote.s32 $0x1  }
0xc1: {  	_ =	sfence.sel $0xFFFF  }
0xc2: {  	[dreg:$0x0] =	wrdreg $0xFFFFFFFF;
	(pc) =	sbr.abs _section_cstart, $3  }
0xc3: {  	[dreg:$0x1] =	wrdreg $0xFFFFFFFF  }
0xc4: {  	_ =	task.clear_ibuf [dreg:s9], $0x2FFFF;
	_ =	strace $0x9FFFFFFF  }
0xc5: {  	(tm) =	ssettm $0x7FFFFFFF  }
tec
execute0_lowered:
.L_overlay_start_1:
0x0: {  	(tag) =	ssettag $0x1  }
0x1: {  	s0 =	rddreg [dreg:$0x0]  }
0x2: {  	s2 =	rddreg [dreg:$0x1]  }
0x3: {  	s1 =	rddreg [dreg:$0x2];
	s3 =	srdreg.scid  }
0x4: {  	s9 =	stileid.u32;
	s28 =	simm.s32 $0x1;
	s29 =	simm.s32 $0x2  }
0x5: {  	s30 =	simm.s32 $0x3;
	s31 =	simm.s32 $0x4;
	s6 =	sand.u32 $0x1, s3  }
0x6: {  	s3 =	simm.s32 $0x0;
	s4 =	sshll.u32 s9, $0x7;
	s20 =	sshll.u32 s9, $0x12  }
0x7: {  	s23 =	sshll.u32 s9, $0xB;
	s25 =	sshll.u32 s9, $0x10;
	s5 =	sshll.u32 s6, $0x6  }
0x8: {  	[smem:$0x7FF] =	sst s3;
	s7 =	ssub.s32 $0x2, s6;
	s5 =	sor.u32 s5, s4  }
0x9: {  	s8 =	sshrl.u32 s7, $0x1;
	s4 =	sshll.u32 s5, $0xB;
	s14 =	sshll.u32 s5, $0x9  }
0xa: {  	s7 =	ssub.s32 s7, s8;
	s4 =	sadd.s32 s4, s0;
	s0 =	sadd.s32 s2, s14  }
0xb: {  	_ =	strace $0x80000047;
	s21 =	smax.u32 s7, $0x1;
	[dreg:$0x4] =	wrdreg s0  }
0xc: {  	s22 =	sshll.u32 s6, $0x11;
	s15 =	sadd.s32 $0x800, s4;
	[dreg:$0xb] =	wrdreg s21  }
0xd: {  	s24 =	sshll.u32 s6, $0xA;
	s16 =	sadd.s32 $0x10, s0;
	[dreg:$0x5] =	wrdreg s15  }
0xe: {  	s26 =	sshll.u32 s6, $0xF;
	s17 =	sadd.s32 $0x1000, s4;
	[dreg:$0x6] =	wrdreg s16  }
0xf: {  	s6 =	simm.s32 $0x7;
	s18 =	sadd.s32 $0x20, s0;
	[dreg:$0x7] =	wrdreg s17  }
0x10: {  	s8 =	simm.s32 $0x0;
	s19 =	sadd.s32 $0x1800, s4;
	[dreg:$0x8] =	wrdreg s18  }
0x11: {  	s7 =	simm.s32 $0x8;
	s0 =	sadd.s32 $0x30, s0;
	[dreg:$0x9] =	wrdreg s19  }
0x12: {  	s21 =	simm.s32 $0x4000;
	[dreg:$0xa] =	wrdreg s0;
	s0 =	sadd.s32 s20, s1  }
0x13: {  	s16 =	sadd.s32 $0x3000, s4;
	s17 =	sadd.s32 $0x2000, s4;
	s18 =	simm.s32 $0x80  }
.Ltmp0:
0x14: {  	s19 =	simm.s32 $0x400;
	s20 =	simm.s32 $0x10000;
	(pc) =	sbr.rel .LBB2_1-.Ltmp0, $4  }
0x15: {  	s1 =	simm.s32 $0x6;
	s13 =	sadd.s32 s22, s0;
	s0 =	sor.u32 s24, s23  }
0x16: {  	s22 =	simm.s32 $0x11000;
	s23 =	simm.s32 $0x8000;
	s24 =	simm.s32 $0x12000  }
0x17: {  	[dreg:$0xc] =	wrdreg s0;
	s0 =	sor.u32 s26, s25;
	s25 =	simm.s32 $0xC000  }
0x18: {  	s26 =	simm.s32 $0x13000;
	[dreg:$0xd] =	wrdreg s0;
	s0 =	simm.s32 $0x5  }
.LBB2_4:
0x19: {  	_ =	swait.ge [sflag:s1], $0x4000  }
0x1a: {  	[sflag:s1] =	ssyncset.done $0x0  }
0x1b: {  	[sflag:s1] =	ssyncadd.s32 $0xFFFFC000  }
0x1c: {  	_ =	swait.ge [sflag:s6], $0x4000  }
0x1d: {  	[sflag:s6] =	ssyncset.done $0x0  }
0x1e: {  	[sflag:s6] =	ssyncadd.s32 $0xFFFFC000  }
0x1f: {  	_ =	swait.ge [sflag:s7], $0x4000  }
0x20: {  	s8 =	rddreg [dreg:$0xe]  }
0x21: {  	s5 =	rddreg [dreg:$0xb];
	s8 =	sadd.s32 $0x1, s8  }
0x22: {  	p0 =	sne.s32 s8, s5  }
.Ltmp1:
0x23: {  	_ = 	snop;
	(pc) =	sbr.rel @!p0 .LBB2_5-.Ltmp1, $3  }
0x24: {  	_ =	sdelay $0x1  }
0x25: {  	[sflag:s7] =	ssyncset.done $0x0  }
0x26: {  	[sflag:s7] =	ssyncadd.s32 $0xFFFFC000  }
.LBB2_1:
0x27: {  	[dreg:$0xe] =	wrdreg s8  }
0x28: {  	[tilespmem:s3], [sflag:$0x1] =	stream.linear.gather [hbm4b:s4+s3], $0x4000, $0x38;
	[tilespmem:$0x14000] =	vst v63  }
0x29: {  	s5 =	rddreg [dreg:$0x4]  }
0x2a: {  	s9 =	rddreg [dreg:$0x5]  }
0x2b: {  	[tilespmem:s20], [sflag:$0x1] =	stream.strided.gather [hbm4b:s5+s18], $0x1000, s19, s18, $0x38;
	[tilespmem:$0x14000] =	vst v63  }
0x2c: {  	s10 =	rddreg [dreg:$0x6]  }
0x2d: {  	[tilespmem:s21], [sflag:$0x2] =	stream.linear.gather [hbm4b:s9+s3], $0x4000, $0x38;
	[tilespmem:$0x14000] =	vst v63  }
0x2e: {  	s11 =	rddreg [dreg:$0x7]  }
0x2f: {  	[tilespmem:s22], [sflag:$0x2] =	stream.strided.gather [hbm4b:s10+s18], $0x1000, s19, s18, $0x38;
	[tilespmem:$0x14000] =	vst v63  }
0x30: {  	s12 =	rddreg [dreg:$0x8]  }
0x31: {  	[tilespmem:s23], [sflag:$0x3] =	stream.linear.gather [hbm4b:s11+s3], $0x4000, $0x38;
	[tilespmem:$0x14000] =	vst v63  }
0x32: {  	s14 =	rddreg [dreg:$0x9]  }
0x33: {  	[tilespmem:s24], [sflag:$0x3] =	stream.strided.gather [hbm4b:s12+s18], $0x1000, s19, s18, $0x38;
	[tilespmem:$0x14000] =	vst v63  }
0x34: {  	s15 =	rddreg [dreg:$0xa]  }
0x35: {  	[tilespmem:s25], [sflag:$0x4] =	stream.linear.gather [hbm4b:s14+s3], $0x4000, $0x38;
	[tilespmem:$0x14000] =	vst v63  }
0x36: {  	s14 =	rddreg [dreg:$0xc]  }
0x37: {  	[tilespmem:s26], [sflag:$0x4] =	stream.strided.gather [hbm4b:s15+s18], $0x1000, s19, s18, $0x38;
	[tilespmem:$0x14000] =	vst v63  }
0x38: {  	s9 =	simm.s32 $0x0;
	s15 =	rddreg [dreg:$0xd]  }
.LBB2_2:
0x39: {  	_ =	swait.ge [sflag:s28], $0x4000  }
0x3a: {  	[sflag:s28] =	ssyncset.done $0x0  }
0x3b: {  	[sflag:s28] =	ssyncadd.s32 $0xFFFFC000  }
0x3c: {  	_ =	swait.ge [sflag:s28], $0x1000  }
0x3d: {  	[sflag:s28] =	ssyncset.done $0x0  }
0x3e: {  	s12 =	sadd.s32 s9, s13;
	[sflag:s28] =	ssyncadd.s32 $0xFFFFF000  }
0x3f: {  	[hbm4b:s12+s3] =	stream.linear.scatter [tilespmem:s3], [sflag:$0x5], $0x4000, $0x38;
	[tilespmem:$0x14000] =	vst v63  }
0x40: {  	_ =	swait.ge [sflag:s29], $0x4000  }
0x41: {  	[sflag:s29] =	ssyncset.done $0x0  }
0x42: {  	[sflag:s29] =	ssyncadd.s32 $0xFFFFC000  }
0x43: {  	_ =	swait.ge [sflag:s29], $0x1000  }
0x44: {  	[sflag:s29] =	ssyncset.done $0x0  }
0x45: {  	s5 =	sadd.s32 $0x800, s12;
	[sflag:s29] =	ssyncadd.s32 $0xFFFFF000  }
0x46: {  	[hbm4b:s5+s3] =	stream.linear.scatter [tilespmem:s21], [sflag:$0x6], $0x4000, $0x38;
	[tilespmem:$0x14000] =	vst v63  }
0x47: {  	_ =	swait.ge [sflag:s30], $0x4000  }
0x48: {  	[sflag:s30] =	ssyncset.done $0x0  }
0x49: {  	[sflag:s30] =	ssyncadd.s32 $0xFFFFC000  }
0x4a: {  	_ =	swait.ge [sflag:s30], $0x1000  }
0x4b: {  	[sflag:s30] =	ssyncset.done $0x0  }
0x4c: {  	s11 =	sadd.s32 $0x1000, s12;
	[sflag:s30] =	ssyncadd.s32 $0xFFFFF000  }
0x4d: {  	[hbm4b:s11+s3] =	stream.linear.scatter [tilespmem:s23], [sflag:$0x7], $0x4000, $0x38;
	[tilespmem:$0x14000] =	vst v63  }
0x4e: {  	_ =	swait.ge [sflag:s31], $0x4000  }
0x4f: {  	[sflag:s31] =	ssyncset.done $0x0  }
0x50: {  	[sflag:s31] =	ssyncadd.s32 $0xFFFFC000  }
0x51: {  	_ =	swait.ge [sflag:s31], $0x1000  }
0x52: {  	p0 =	seq.s32 s9, $0x1E000;
	[sflag:s31] =	ssyncset.done $0x0  }
.Ltmp2:
0x53: {  	s12 =	sadd.s32 $0x1800, s12;
	[sflag:s31] =	ssyncadd.s32 $0xFFFFF000;
	(pc) =	sbr.rel @p0 .LBB2_4-.Ltmp2, $4  }
0x54: {  	[hbm4b:s12+s3] =	stream.linear.scatter [tilespmem:s25], [sflag:$0x8], $0x4000, $0x38;
	[tilespmem:$0x14000] =	vst v63  }
0x55: {  	_ =	swait.ge [sflag:s0], $0x4000  }
0x56: {  	[sflag:s0] =	ssyncset.done $0x0  }
0x57: {  	[sflag:s0] =	ssyncadd.s32 $0xFFFFC000  }
0x58: {  	s5 =	sadd.s32 s9, s17  }
0x59: {  	[tilespmem:s3], [sflag:$0x1] =	stream.linear.gather [hbm4b:s5+s3], $0x4000, $0x38;
	[tilespmem:$0x14000] =	vst v63  }
0x5a: {  	s5 =	sadd.s32 $0x40, s14  }
0x5b: {  	s12 =	sadd.s32 $0x800, s15;
	s11 =	sand.u32 $0x40, s5  }
0x5c: {  	s10 =	sand.u32 $0xFFFF000, s12;
	s11 =	sadd.s32 s2, s11  }
0x5d: {  	s10 =	sadd.s32 s10, s11  }
0x5e: {  	[tilespmem:s20], [sflag:$0x1] =	stream.strided.gather [hbm4b:s10+s18], $0x1000, s19, s18, $0x38;
	[tilespmem:$0x14000] =	vst v63  }
0x5f: {  	_ =	swait.ge [sflag:s1], $0x4000  }
0x60: {  	s10 =	sadd.s32 s9, s4;
	[sflag:s1] =	ssyncset.done $0x0  }
0x61: {  	s11 =	sadd.s32 $0x50, s14;
	s8 =	sadd.s32 $0x2800, s10;
	[sflag:s1] =	ssyncadd.s32 $0xFFFFC000  }
0x62: {  	[tilespmem:s21], [sflag:$0x2] =	stream.linear.gather [hbm4b:s8+s3], $0x4000, $0x38;
	[tilespmem:$0x14000] =	vst v63  }
0x63: {  	s11 =	sand.u32 $0x50, s11;
	s8 =	sadd.s32 $0xA00, s15  }
0x64: {  	s11 =	sadd.s32 s2, s11;
	s8 =	sand.u32 $0xFFFF000, s8  }
0x65: {  	s8 =	sadd.s32 s8, s11  }
0x66: {  	[tilespmem:s22], [sflag:$0x2] =	stream.strided.gather [hbm4b:s8+s18], $0x1000, s19, s18, $0x38;
	[tilespmem:$0x14000] =	vst v63  }
0x67: {  	_ =	swait.ge [sflag:s6], $0x4000  }
0x68: {  	[sflag:s6] =	ssyncset.done $0x0  }
0x69: {  	s11 =	sadd.s32 s9, s16;
	s8 =	sadd.s32 $0x60, s14;
	[sflag:s6] =	ssyncadd.s32 $0xFFFFC000  }
0x6a: {  	[tilespmem:s23], [sflag:$0x3] =	stream.linear.gather [hbm4b:s11+s3], $0x4000, $0x38;
	[tilespmem:$0x14000] =	vst v63  }
0x6b: {  	s8 =	sand.u32 $0x60, s8;
	s11 =	sadd.s32 $0xC00, s15  }
0x6c: {  	s8 =	sadd.s32 s2, s8;
	s11 =	sand.u32 $0xFFFF000, s11  }
0x6d: {  	s9 =	sadd.s32 $0x2000, s9;
	s14 =	sadd.s32 $0x70, s14;
	s8 =	sadd.s32 s11, s8  }
0x6e: {  	[tilespmem:s24], [sflag:$0x3] =	stream.strided.gather [hbm4b:s8+s18], $0x1000, s19, s18, $0x38;
	[tilespmem:$0x14000] =	vst v63  }
0x6f: {  	s15 =	sadd.s32 $0xE00, s15;
	s11 =	sadd.s32 $0x3800, s10;
	_ =	swait.ge [sflag:s7], $0x4000  }
.Ltmp3:
0x70: {  	s8 =	sand.u32 $0x70, s14;
	[sflag:s7] =	ssyncset.done $0x0;
	(pc) =	sbr.rel .LBB2_2-.Ltmp3, $4  }
0x71: {  	s10 =	sand.u32 $0xFFFF000, s15;
	s8 =	sadd.s32 s2, s8;
	[sflag:s7] =	ssyncadd.s32 $0xFFFFC000  }
0x72: {  	[tilespmem:s25], [sflag:$0x4] =	stream.linear.gather [hbm4b:s11+s3], $0x4000, $0x38;
	[tilespmem:$0x14000] =	vst v63  }
0x73: {  	s15 =	smov.u32 s12;
	s14 =	smov.u32 s5;
	s8 =	sadd.s32 s10, s8  }
0x74: {  	[tilespmem:s26], [sflag:$0x4] =	stream.strided.gather [hbm4b:s8+s18], $0x1000, s19, s18, $0x38;
	[tilespmem:$0x14000] =	vst v63  }
.LBB2_5:
0x75: {  	_ =	sfence.sel $0x180000  }
0x76: {  	[bflag:$0x0] =	sbarrier.arrive $0xFFFF  }
0x77: {  	_ =	strace $0x90000047  }
0x78: {  	s0 =	stileid.u32;
	[bflag:$0x2] =	sbarrier.arrive $0xFFFF  }
0x79: {  	p0 =	sne.s32 s0, $0x0;
	s0 =	rddreg [dreg:$0x3]  }
0x7a: {  	s0 =	sadd.s32 @!p0 $0x100000, s0  }
0x7b: {  	[sflag:s0] =	ssyncadd.tile.s32 @!p0 $0x1;
	_ =	shalt  }
.Lfunc_end2:
_tile_overlayer_lowered:
.L_overlay_start_2:
0x7c: {  	(tag) =	ssettag $0x2  }
0x7d: {  	s0 =	rddreg [dreg:$0x0];
	s2 =	stileid.u32  }
0x7e: {  	s1 =	rddreg [dreg:$0x1];
	p0 =	sne.s32 s2, $0x0  }
0x7f: {  	s3 =	rddreg [dreg:$0x2];
	[bflag:$0x3] =	sbarrier.arrive $0xFFFF;
	s2 =	simm.s32 @!p0 $0x1C09  }
0x80: {  	[timem:s3], [sflag:s2] =	dma.local @!p0 [hbm:s0], s1  }
0x81: {  	s0 =	simm.s32 @!p0 $0x9  }
0x82: {  	_ =	swait.ge @!p0 [sflag:s0], s1  }
0x83: {  	s1 =	ssub.s32 @!p0 $0x0, s1;
	[sflag:s0] =	ssyncset.done @!p0 $0x0  }
0x84: {  	[sflag:s0] =	ssyncadd.s32 @!p0 s1  }
0x85: {  	[bflag:$0x3] =	sbarrier.arrive $0xFFFF  }
0x86: {  	_ =	shalt  }

</sc_bundles>
